<compile_context>
chip_gen: v7x
topology: tpu7x:2x2x1
jax: 0.10.2.dev20260603
libtpu: 0.0.44.dev20260713+nightly
codegen_flags: <defaults>
</compile_context>

<pallas_src>
import functools

import jax
import jax.numpy as jnp
from jax import lax
from jax.experimental import pallas as pl
from jax.experimental.pallas import tpu as pltpu
from jax.experimental.pallas import tpu_sc as plsc

_NUM_CORES = 2
_NUM_SUBCORES = 16
_NUM_WORKERS = _NUM_CORES * _NUM_SUBCORES

_CHUNK = 128

_NBUF = 7
_AHEAD = 2


def _make_gather(num_rows: int, embed_dim: int, n_chunks: int):
  mesh = plsc.VectorSubcoreMesh(core_axis_name="c", subcore_axis_name="s")
  rows_per_worker = n_chunks * _CHUNK

  @functools.partial(
      pl.kernel,
      mesh=mesh,
      out_type=jax.ShapeDtypeStruct((num_rows, embed_dim), jnp.float32),
      scratch_types=[
          pltpu.VMEM((rows_per_worker,), jnp.int32),
          pltpu.VMEM((_NBUF, _CHUNK, embed_dim), jnp.float32),
          pltpu.SemaphoreType.DMA((_NBUF,)),
          pltpu.SemaphoreType.DMA((_NBUF,)),
      ],
  )
  def gather_kernel(table_hbm, idx_hbm, out_hbm, idx_v, rows_v, gsem, ssem):
    wid = lax.axis_index("s") * _NUM_CORES + lax.axis_index("c")
    base = wid * rows_per_worker
    pltpu.sync_copy(idx_hbm.at[pl.ds(base, rows_per_worker)], idx_v)

    for g in range(_AHEAD):
      pltpu.async_copy(
          table_hbm.at[idx_v.at[pl.ds(g * _CHUNK, _CHUNK)]],
          rows_v.at[g], gsem.at[g],
      )

    @pl.loop(0, n_chunks)
    def _(j):
      slot = lax.rem(j, _NBUF)
      g = j + _AHEAD

      @pl.when(g < n_chunks)
      def _():
        gslot = lax.rem(g, _NBUF)

        @pl.when(j >= _NBUF - _AHEAD)
        def _():
          pltpu.make_async_copy(
              rows_v.at[gslot], out_hbm.at[pl.ds(base, _CHUNK)],
              ssem.at[gslot],
          ).wait()

        pltpu.async_copy(
            table_hbm.at[idx_v.at[pl.ds(g * _CHUNK, _CHUNK)]],
            rows_v.at[gslot], gsem.at[gslot],
        )

      pltpu.make_async_copy(
          table_hbm.at[idx_v.at[pl.ds(j * _CHUNK, _CHUNK)]],
          rows_v.at[slot], gsem.at[slot],
      ).wait()
      pltpu.async_copy(
          rows_v.at[slot],
          out_hbm.at[pl.ds(base + j * _CHUNK, _CHUNK)],
          ssem.at[slot],
      )

    for b in range(_NBUF):
      pltpu.make_async_copy(
          rows_v.at[b], out_hbm.at[pl.ds(base, _CHUNK)], ssem.at[b]
      ).wait()

  return gather_kernel


def kernel(embeddings, token_ids):
  batch, hist = token_ids.shape
  vocab, embed_dim = embeddings.shape
  num_rows = batch * hist
  assert num_rows % (_NUM_WORKERS * _CHUNK) == 0
  n_chunks = num_rows // (_NUM_WORKERS * _CHUNK)

  idx = jnp.transpose(token_ids).astype(jnp.int32).reshape(num_rows)
  out = _make_gather(num_rows, embed_dim, n_chunks)(embeddings, idx)
  return jnp.transpose(out.reshape(hist, batch, embed_dim), (1, 0, 2))

# --- scband reference (transcript-rebuilt; emitter-appended) ---
"""Pipeline reference for scband-embedding-layer-23785528885861 (READ-ONLY COPY).

The authoritative reference and input builder live on the scoring server;
editing this copy changes nothing except your own understanding.
"""

import jax, jax.numpy as jnp
import numpy as np

VOCAB_SIZE = 100000
EMBED_DIM = 128
BATCH = 4096
HIST_LEN = 50

def setup_inputs(seed: int = 0) -> dict:
    key = jax.random.key(seed)
    k_idx, k_emb = jax.random.split(key)
    token_ids = jax.random.randint(k_idx, (BATCH, HIST_LEN), 0, VOCAB_SIZE, dtype=jnp.int64 if jax.config.jax_enable_x64 else jnp.int32)
    embeddings = jax.random.normal(k_emb, (VOCAB_SIZE, EMBED_DIM), dtype=jnp.float32) * 0.02
    return {"embeddings": embeddings, "token_ids": token_ids}

def reference(embeddings, token_ids):
    # Faithful translation of: return self.embeddings[token_ids]
    return jnp.take(embeddings, token_ids, axis=0)

if __name__ == "__main__":
    import jax
    _d = setup_inputs()
    print(jax.jit(kernel)(*tuple(_d.values())))

</pallas_src>

<mosaic_0001>
#map = affine_map<(d0, d1) -> (0, 0)>
#map1 = affine_map<(d0, d1) -> (0)>
module attributes {stable_mosaic.version = 14 : i64} {
  func.func @gather_kernel(%arg0: i32, %arg1: i32, %arg2: memref<100000x128xf32, #tpu.memory_space<hbm>>, %arg3: memref<204800xi32, #tpu.memory_space<hbm>>, %arg4: memref<204800x128xf32, #tpu.memory_space<hbm>>, %arg5: memref<6400xi32, #tpu.memory_space<vmem>>, %arg6: memref<7x128x128xf32, #tpu.memory_space<vmem>>, %arg7: memref<7x!tpu.dma_semaphore, #tpu.memory_space<semaphore_mem>>, %arg8: memref<7x!tpu.dma_semaphore, #tpu.memory_space<semaphore_mem>>) attributes {dimension_semantics = [#tpu.dimension_semantics<core_parallel>, #tpu.dimension_semantics<subcore_parallel>], iteration_bounds = array<i64: 2, 16>, scalar_prefetch = 0 : i64, scratch_operands = 4 : i64, tpu.core_type = #tpu.core_type<sc_vector_subcore>, window_params = [{transform_indices = #map}, {transform_indices = #map1}, {transform_indices = #map}]} {
    %mul3A = arith.constant 2 : i32
    %mul3A_0 = arith.muli %arg1, %mul3A : i32
    %add3A = arith.addi %mul3A_0, %arg0 : i32
    %mul3A_1 = arith.constant 6400 : i32
    %mul3A_2 = arith.muli %add3A, %mul3A_1 : i32
    "tpu.region"() ({
      %run_scoped3A = tpu.sem_alloc : memref<!tpu.dma_semaphore, #tpu.memory_space<semaphore_mem>>
      %dma_start3A_143 = tpu.memref_slice %arg3[%mul3A_2] : memref<204800xi32, #tpu.memory_space<hbm>> -> memref<6400xi32, #tpu.memory_space<hbm>>
      %dma_start3A_144 = tpu.memref_slice %arg3[%mul3A_2] : memref<204800xi32, #tpu.memory_space<hbm>> -> memref<6400xi32, #tpu.memory_space<hbm>>
      tpu.enqueue_dma source(%dma_start3A_144 : memref<6400xi32, #tpu.memory_space<hbm>>) target(%arg5 : memref<6400xi32, #tpu.memory_space<vmem>>) target_semaphore(%run_scoped3A : memref<!tpu.dma_semaphore, #tpu.memory_space<semaphore_mem>>)
      %dma_wait3A_145 = tpu.memref_slice %arg3[%mul3A_2] : memref<204800xi32, #tpu.memory_space<hbm>> -> memref<6400xi32, #tpu.memory_space<hbm>>
      %dma_wait3A_146 = tpu.memref_slice %arg3[%mul3A_2] : memref<204800xi32, #tpu.memory_space<hbm>> -> memref<6400xi32, #tpu.memory_space<hbm>>
      tpu.wait_dma2 semaphore(%run_scoped3A : memref<!tpu.dma_semaphore, #tpu.memory_space<semaphore_mem>>) src(%dma_wait3A_146 : memref<6400xi32, #tpu.memory_space<hbm>>) dst(%arg5 : memref<6400xi32, #tpu.memory_space<vmem>>)
      tpu.yield
    }) : () -> ()
    %dma_start3A = arith.constant 0 : i32
    %dma_start3A_3 = arith.constant 0 : i32
    %dma_start3A_4 = arith.constant 0 : i32
    %dma_start3A_5 = arith.constant 0 : i32
    %dma_start3A_6 = tpu.memref_slice %arg6[%dma_start3A, %dma_start3A_4, %dma_start3A_5] : memref<7x128x128xf32, #tpu.memory_space<vmem>> -> memref<1x128x128xf32, #tpu.memory_space<vmem>>
    %dma_start3A_7 = tpu.memref_squeeze %dma_start3A_6 : memref<1x128x128xf32, #tpu.memory_space<vmem>> -> memref<128x128xf32, #tpu.memory_space<vmem>>
    %dma_start3A_8 = arith.constant 0 : i32
    %dma_start3A_9 = tpu.memref_slice %arg5[%dma_start3A_8] : memref<6400xi32, #tpu.memory_space<vmem>> -> memref<128xi32, #tpu.memory_space<vmem>>
    %dma_start3A_10 = arith.constant 0 : i32
    %dma_start3A_11 = arith.constant 0 : i32
    %dma_start3A_12 = tpu.memref_slice %arg2[%dma_start3A_10, %dma_start3A_11] : memref<100000x128xf32, #tpu.memory_space<hbm>> -> memref<100000x128xf32, #tpu.memory_space<hbm>>
    %dma_start3A_13 = tpu.memref_slice %arg7[%dma_start3A_3] : memref<7x!tpu.dma_semaphore, #tpu.memory_space<semaphore_mem>> -> memref<1x!tpu.dma_semaphore, #tpu.memory_space<semaphore_mem>>
    %dma_start3A_14 = tpu.memref_squeeze %dma_start3A_13 : memref<1x!tpu.dma_semaphore, #tpu.memory_space<semaphore_mem>> -> memref<!tpu.dma_semaphore, #tpu.memory_space<semaphore_mem>>
    tpu.enqueue_indirect_dma source(%dma_start3A_12 : memref<100000x128xf32, #tpu.memory_space<hbm>>) target(%dma_start3A_7 : memref<128x128xf32, #tpu.memory_space<vmem>>) offsets(%dma_start3A_9 : memref<128xi32, #tpu.memory_space<vmem>>) semaphore(%dma_start3A_14 : memref<!tpu.dma_semaphore, #tpu.memory_space<semaphore_mem>>)
    %dma_start3A_15 = arith.constant 1 : i32
    %dma_start3A_16 = arith.constant 1 : i32
    %dma_start3A_17 = arith.constant 0 : i32
    %dma_start3A_18 = arith.constant 0 : i32
    %dma_start3A_19 = tpu.memref_slice %arg6[%dma_start3A_15, %dma_start3A_17, %dma_start3A_18] : memref<7x128x128xf32, #tpu.memory_space<vmem>> -> memref<1x128x128xf32, #tpu.memory_space<vmem>>
    %dma_start3A_20 = tpu.memref_squeeze %dma_start3A_19 : memref<1x128x128xf32, #tpu.memory_space<vmem>> -> memref<128x128xf32, #tpu.memory_space<vmem>>
    %dma_start3A_21 = arith.constant 128 : i32
    %dma_start3A_22 = tpu.memref_slice %arg5[%dma_start3A_21] : memref<6400xi32, #tpu.memory_space<vmem>> -> memref<128xi32, #tpu.memory_space<vmem>>
    %dma_start3A_23 = arith.constant 0 : i32
    %dma_start3A_24 = arith.constant 0 : i32
    %dma_start3A_25 = tpu.memref_slice %arg2[%dma_start3A_23, %dma_start3A_24] : memref<100000x128xf32, #tpu.memory_space<hbm>> -> memref<100000x128xf32, #tpu.memory_space<hbm>>
    %dma_start3A_26 = tpu.memref_slice %arg7[%dma_start3A_16] : memref<7x!tpu.dma_semaphore, #tpu.memory_space<semaphore_mem>> -> memref<1x!tpu.dma_semaphore, #tpu.memory_space<semaphore_mem>>
    %dma_start3A_27 = tpu.memref_squeeze %dma_start3A_26 : memref<1x!tpu.dma_semaphore, #tpu.memory_space<semaphore_mem>> -> memref<!tpu.dma_semaphore, #tpu.memory_space<semaphore_mem>>
    tpu.enqueue_indirect_dma source(%dma_start3A_25 : memref<100000x128xf32, #tpu.memory_space<hbm>>) target(%dma_start3A_20 : memref<128x128xf32, #tpu.memory_space<vmem>>) offsets(%dma_start3A_22 : memref<128xi32, #tpu.memory_space<vmem>>) semaphore(%dma_start3A_27 : memref<!tpu.dma_semaphore, #tpu.memory_space<semaphore_mem>>)
    %scan3A = arith.constant 0 : i32
    %scan3A_28 = arith.constant 50 : i32
    %scan3A_29 = arith.addi %scan3A, %scan3A_28 : i32
    %scan3A_30 = arith.constant 1 : i32
    scf.for %scan3A_143 = %scan3A to %scan3A_29 step %scan3A_30  : i32 {
      %mul3A_144 = arith.constant 1 : i32
      %mul3A_145 = arith.muli %scan3A_143, %mul3A_144 : i32
      %add3A_146 = arith.constant 0 : i32
      %add3A_147 = arith.addi %add3A_146, %mul3A_145 : i32
      %rem3A = arith.constant 7 : i32
      %rem3A_148 = arith.remsi %add3A_147, %rem3A : i32
      %add3A_149 = arith.constant 2 : i32
      %add3A_150 = arith.addi %add3A_147, %add3A_149 : i32
      %lt3A = arith.constant 50 : i32
      %lt3A_151 = arith.cmpi slt, %add3A_150, %lt3A : i32
      %convert_element_type3A = arith.extui %lt3A_151 : i1 to i32
      %cond3A = arith.constant 0 : i32
      %cond3A_152 = arith.cmpi ne, %convert_element_type3A, %cond3A : i32
      scf.if %cond3A_152 {
        %rem3A_182 = arith.constant 7 : i32
        %rem3A_183 = arith.remsi %add3A_150, %rem3A_182 : i32
        %ge3A = arith.constant 5 : i32
        %ge3A_184 = arith.cmpi sge, %add3A_147, %ge3A : i32
        %convert_element_type3A_185 = arith.extui %ge3A_184 : i1 to i32
        %cond3A_186 = arith.constant 0 : i32
        %cond3A_187 = arith.cmpi ne, %convert_element_type3A_185, %cond3A_186 : i32
        scf.if %cond3A_187 {
          %dma_wait3A_200 = arith.constant 0 : i32
          %dma_wait3A_201 = arith.constant 0 : i32
          %dma_wait3A_202 = tpu.memref_slice %arg6[%rem3A_183, %dma_wait3A_200, %dma_wait3A_201] : memref<7x128x128xf32, #tpu.memory_space<vmem>> -> memref<1x128x128xf32, #tpu.memory_space<vmem>>
          %dma_wait3A_203 = tpu.memref_squeeze %dma_wait3A_202 : memref<1x128x128xf32, #tpu.memory_space<vmem>> -> memref<128x128xf32, #tpu.memory_space<vmem>>
          %dma_wait3A_204 = arith.constant 0 : i32
          %dma_wait3A_205 = tpu.memref_slice %arg4[%mul3A_2, %dma_wait3A_204] : memref<204800x128xf32, #tpu.memory_space<hbm>> -> memref<128x128xf32, #tpu.memory_space<hbm>>
          %dma_wait3A_206 = tpu.memref_slice %arg8[%rem3A_183] : memref<7x!tpu.dma_semaphore, #tpu.memory_space<semaphore_mem>> -> memref<1x!tpu.dma_semaphore, #tpu.memory_space<semaphore_mem>>
          %dma_wait3A_207 = tpu.memref_squeeze %dma_wait3A_206 : memref<1x!tpu.dma_semaphore, #tpu.memory_space<semaphore_mem>> -> memref<!tpu.dma_semaphore, #tpu.memory_space<semaphore_mem>>
          %dma_wait3A_208 = arith.constant 0 : i32
          %dma_wait3A_209 = tpu.memref_slice %arg4[%mul3A_2, %dma_wait3A_208] : memref<204800x128xf32, #tpu.memory_space<hbm>> -> memref<128x128xf32, #tpu.memory_space<hbm>>
          %dma_wait3A_210 = arith.constant 0 : i32
          %dma_wait3A_211 = arith.constant 0 : i32
          %dma_wait3A_212 = tpu.memref_slice %arg6[%rem3A_183, %dma_wait3A_210, %dma_wait3A_211] : memref<7x128x128xf32, #tpu.memory_space<vmem>> -> memref<1x128x128xf32, #tpu.memory_space<vmem>>
          %dma_wait3A_213 = tpu.memref_squeeze %dma_wait3A_212 : memref<1x128x128xf32, #tpu.memory_space<vmem>> -> memref<128x128xf32, #tpu.memory_space<vmem>>
          tpu.wait_dma2 semaphore(%dma_wait3A_207 : memref<!tpu.dma_semaphore, #tpu.memory_space<semaphore_mem>>) src(%dma_wait3A_213 : memref<128x128xf32, #tpu.memory_space<vmem>>) dst(%dma_wait3A_209 : memref<128x128xf32, #tpu.memory_space<hbm>>)
        } else {
        }
        %mul3A_188 = arith.constant 128 : i32
        %mul3A_189 = arith.muli %add3A_150, %mul3A_188 : i32
        %dma_start3A_190 = arith.constant 0 : i32
        %dma_start3A_191 = arith.constant 0 : i32
        %dma_start3A_192 = tpu.memref_slice %arg6[%rem3A_183, %dma_start3A_190, %dma_start3A_191] : memref<7x128x128xf32, #tpu.memory_space<vmem>> -> memref<1x128x128xf32, #tpu.memory_space<vmem>>
        %dma_start3A_193 = tpu.memref_squeeze %dma_start3A_192 : memref<1x128x128xf32, #tpu.memory_space<vmem>> -> memref<128x128xf32, #tpu.memory_space<vmem>>
        %dma_start3A_194 = tpu.memref_slice %arg5[%mul3A_189] : memref<6400xi32, #tpu.memory_space<vmem>> -> memref<128xi32, #tpu.memory_space<vmem>>
        %dma_start3A_195 = arith.constant 0 : i32
        %dma_start3A_196 = arith.constant 0 : i32
        %dma_start3A_197 = tpu.memref_slice %arg2[%dma_start3A_195, %dma_start3A_196] : memref<100000x128xf32, #tpu.memory_space<hbm>> -> memref<100000x128xf32, #tpu.memory_space<hbm>>
        %dma_start3A_198 = tpu.memref_slice %arg7[%rem3A_183] : memref<7x!tpu.dma_semaphore, #tpu.memory_space<semaphore_mem>> -> memref<1x!tpu.dma_semaphore, #tpu.memory_space<semaphore_mem>>
        %dma_start3A_199 = tpu.memref_squeeze %dma_start3A_198 : memref<1x!tpu.dma_semaphore, #tpu.memory_space<semaphore_mem>> -> memref<!tpu.dma_semaphore, #tpu.memory_space<semaphore_mem>>
        tpu.enqueue_indirect_dma source(%dma_start3A_197 : memref<100000x128xf32, #tpu.memory_space<hbm>>) target(%dma_start3A_193 : memref<128x128xf32, #tpu.memory_space<vmem>>) offsets(%dma_start3A_194 : memref<128xi32, #tpu.memory_space<vmem>>) semaphore(%dma_start3A_199 : memref<!tpu.dma_semaphore, #tpu.memory_space<semaphore_mem>>)
      } else {
      }
      %mul3A_153 = arith.constant 128 : i32
      %mul3A_154 = arith.muli %add3A_147, %mul3A_153 : i32
      %dma_wait3A_155 = arith.constant 0 : i32
      %dma_wait3A_156 = arith.constant 0 : i32
      %dma_wait3A_157 = tpu.memref_slice %arg6[%rem3A_148, %dma_wait3A_155, %dma_wait3A_156] : memref<7x128x128xf32, #tpu.memory_space<vmem>> -> memref<1x128x128xf32, #tpu.memory_space<vmem>>
      %dma_wait3A_158 = tpu.memref_squeeze %dma_wait3A_157 : memref<1x128x128xf32, #tpu.memory_space<vmem>> -> memref<128x128xf32, #tpu.memory_space<vmem>>
      %dma_wait3A_159 = tpu.memref_slice %arg5[%mul3A_154] : memref<6400xi32, #tpu.memory_space<vmem>> -> memref<128xi32, #tpu.memory_space<vmem>>
      %dma_wait3A_160 = arith.constant 0 : i32
      %dma_wait3A_161 = arith.constant 0 : i32
      %dma_wait3A_162 = tpu.memref_slice %arg2[%dma_wait3A_160, %dma_wait3A_161] : memref<100000x128xf32, #tpu.memory_space<hbm>> -> memref<100000x128xf32, #tpu.memory_space<hbm>>
      %dma_wait3A_163 = tpu.memref_slice %arg7[%rem3A_148] : memref<7x!tpu.dma_semaphore, #tpu.memory_space<semaphore_mem>> -> memref<1x!tpu.dma_semaphore, #tpu.memory_space<semaphore_mem>>
      %dma_wait3A_164 = tpu.memref_squeeze %dma_wait3A_163 : memref<1x!tpu.dma_semaphore, #tpu.memory_space<semaphore_mem>> -> memref<!tpu.dma_semaphore, #tpu.memory_space<semaphore_mem>>
      tpu.wait_indirect_dma semaphore(%dma_wait3A_164 : memref<!tpu.dma_semaphore, #tpu.memory_space<semaphore_mem>>) src(%dma_wait3A_162 : memref<100000x128xf32, #tpu.memory_space<hbm>>) dst(%dma_wait3A_158 : memref<128x128xf32, #tpu.memory_space<vmem>>)
      %mul3A_165 = arith.constant 128 : i32
      %mul3A_166 = arith.muli %add3A_147, %mul3A_165 : i32
      %add3A_167 = arith.addi %mul3A_2, %mul3A_166 : i32
      %dma_start3A_168 = arith.constant 0 : i32
      %dma_start3A_169 = arith.constant 0 : i32
      %dma_start3A_170 = tpu.memref_slice %arg6[%rem3A_148, %dma_start3A_168, %dma_start3A_169] : memref<7x128x128xf32, #tpu.memory_space<vmem>> -> memref<1x128x128xf32, #tpu.memory_space<vmem>>
      %dma_start3A_171 = tpu.memref_squeeze %dma_start3A_170 : memref<1x128x128xf32, #tpu.memory_space<vmem>> -> memref<128x128xf32, #tpu.memory_space<vmem>>
      %dma_start3A_172 = arith.constant 0 : i32
      %dma_start3A_173 = tpu.memref_slice %arg4[%add3A_167, %dma_start3A_172] : memref<204800x128xf32, #tpu.memory_space<hbm>> -> memref<128x128xf32, #tpu.memory_space<hbm>>
      %dma_start3A_174 = tpu.memref_slice %arg8[%rem3A_148] : memref<7x!tpu.dma_semaphore, #tpu.memory_space<semaphore_mem>> -> memref<1x!tpu.dma_semaphore, #tpu.memory_space<semaphore_mem>>
      %dma_start3A_175 = tpu.memref_squeeze %dma_start3A_174 : memref<1x!tpu.dma_semaphore, #tpu.memory_space<semaphore_mem>> -> memref<!tpu.dma_semaphore, #tpu.memory_space<semaphore_mem>>
      %dma_start3A_176 = arith.constant 0 : i32
      %dma_start3A_177 = tpu.memref_slice %arg4[%add3A_167, %dma_start3A_176] : memref<204800x128xf32, #tpu.memory_space<hbm>> -> memref<128x128xf32, #tpu.memory_space<hbm>>
      %dma_start3A_178 = arith.constant 0 : i32
      %dma_start3A_179 = arith.constant 0 : i32
      %dma_start3A_180 = tpu.memref_slice %arg6[%rem3A_148, %dma_start3A_178, %dma_start3A_179] : memref<7x128x128xf32, #tpu.memory_space<vmem>> -> memref<1x128x128xf32, #tpu.memory_space<vmem>>
      %dma_start3A_181 = tpu.memref_squeeze %dma_start3A_180 : memref<1x128x128xf32, #tpu.memory_space<vmem>> -> memref<128x128xf32, #tpu.memory_space<vmem>>
      tpu.enqueue_dma source(%dma_start3A_181 : memref<128x128xf32, #tpu.memory_space<vmem>>) target(%dma_start3A_177 : memref<128x128xf32, #tpu.memory_space<hbm>>) target_semaphore(%dma_start3A_175 : memref<!tpu.dma_semaphore, #tpu.memory_space<semaphore_mem>>)
    }
    %scan3A_31 = arith.constant 50 : i32
    %dma_wait3A = arith.constant 0 : i32
    %dma_wait3A_32 = arith.constant 0 : i32
    %dma_wait3A_33 = arith.constant 0 : i32
    %dma_wait3A_34 = arith.constant 0 : i32
    %dma_wait3A_35 = tpu.memref_slice %arg6[%dma_wait3A, %dma_wait3A_33, %dma_wait3A_34] : memref<7x128x128xf32, #tpu.memory_space<vmem>> -> memref<1x128x128xf32, #tpu.memory_space<vmem>>
    %dma_wait3A_36 = tpu.memref_squeeze %dma_wait3A_35 : memref<1x128x128xf32, #tpu.memory_space<vmem>> -> memref<128x128xf32, #tpu.memory_space<vmem>>
    %dma_wait3A_37 = arith.constant 0 : i32
    %dma_wait3A_38 = tpu.memref_slice %arg4[%mul3A_2, %dma_wait3A_37] : memref<204800x128xf32, #tpu.memory_space<hbm>> -> memref<128x128xf32, #tpu.memory_space<hbm>>
    %dma_wait3A_39 = tpu.memref_slice %arg8[%dma_wait3A_32] : memref<7x!tpu.dma_semaphore, #tpu.memory_space<semaphore_mem>> -> memref<1x!tpu.dma_semaphore, #tpu.memory_space<semaphore_mem>>
    %dma_wait3A_40 = tpu.memref_squeeze %dma_wait3A_39 : memref<1x!tpu.dma_semaphore, #tpu.memory_space<semaphore_mem>> -> memref<!tpu.dma_semaphore, #tpu.memory_space<semaphore_mem>>
    %dma_wait3A_41 = arith.constant 0 : i32
    %dma_wait3A_42 = tpu.memref_slice %arg4[%mul3A_2, %dma_wait3A_41] : memref<204800x128xf32, #tpu.memory_space<hbm>> -> memref<128x128xf32, #tpu.memory_space<hbm>>
    %dma_wait3A_43 = arith.constant 0 : i32
    %dma_wait3A_44 = arith.constant 0 : i32
    %dma_wait3A_45 = tpu.memref_slice %arg6[%dma_wait3A, %dma_wait3A_43, %dma_wait3A_44] : memref<7x128x128xf32, #tpu.memory_space<vmem>> -> memref<1x128x128xf32, #tpu.memory_space<vmem>>
    %dma_wait3A_46 = tpu.memref_squeeze %dma_wait3A_45 : memref<1x128x128xf32, #tpu.memory_space<vmem>> -> memref<128x128xf32, #tpu.memory_space<vmem>>
    tpu.wait_dma2 semaphore(%dma_wait3A_40 : memref<!tpu.dma_semaphore, #tpu.memory_space<semaphore_mem>>) src(%dma_wait3A_46 : memref<128x128xf32, #tpu.memory_space<vmem>>) dst(%dma_wait3A_42 : memref<128x128xf32, #tpu.memory_space<hbm>>)
    %dma_wait3A_47 = arith.constant 1 : i32
    %dma_wait3A_48 = arith.constant 1 : i32
    %dma_wait3A_49 = arith.constant 0 : i32
    %dma_wait3A_50 = arith.constant 0 : i32
    %dma_wait3A_51 = tpu.memref_slice %arg6[%dma_wait3A_47, %dma_wait3A_49, %dma_wait3A_50] : memref<7x128x128xf32, #tpu.memory_space<vmem>> -> memref<1x128x128xf32, #tpu.memory_space<vmem>>
    %dma_wait3A_52 = tpu.memref_squeeze %dma_wait3A_51 : memref<1x128x128xf32, #tpu.memory_space<vmem>> -> memref<128x128xf32, #tpu.memory_space<vmem>>
    %dma_wait3A_53 = arith.constant 0 : i32
    %dma_wait3A_54 = tpu.memref_slice %arg4[%mul3A_2, %dma_wait3A_53] : memref<204800x128xf32, #tpu.memory_space<hbm>> -> memref<128x128xf32, #tpu.memory_space<hbm>>
    %dma_wait3A_55 = tpu.memref_slice %arg8[%dma_wait3A_48] : memref<7x!tpu.dma_semaphore, #tpu.memory_space<semaphore_mem>> -> memref<1x!tpu.dma_semaphore, #tpu.memory_space<semaphore_mem>>
    %dma_wait3A_56 = tpu.memref_squeeze %dma_wait3A_55 : memref<1x!tpu.dma_semaphore, #tpu.memory_space<semaphore_mem>> -> memref<!tpu.dma_semaphore, #tpu.memory_space<semaphore_mem>>
    %dma_wait3A_57 = arith.constant 0 : i32
    %dma_wait3A_58 = tpu.memref_slice %arg4[%mul3A_2, %dma_wait3A_57] : memref<204800x128xf32, #tpu.memory_space<hbm>> -> memref<128x128xf32, #tpu.memory_space<hbm>>
    %dma_wait3A_59 = arith.constant 0 : i32
    %dma_wait3A_60 = arith.constant 0 : i32
    %dma_wait3A_61 = tpu.memref_slice %arg6[%dma_wait3A_47, %dma_wait3A_59, %dma_wait3A_60] : memref<7x128x128xf32, #tpu.memory_space<vmem>> -> memref<1x128x128xf32, #tpu.memory_space<vmem>>
    %dma_wait3A_62 = tpu.memref_squeeze %dma_wait3A_61 : memref<1x128x128xf32, #tpu.memory_space<vmem>> -> memref<128x128xf32, #tpu.memory_space<vmem>>
    tpu.wait_dma2 semaphore(%dma_wait3A_56 : memref<!tpu.dma_semaphore, #tpu.memory_space<semaphore_mem>>) src(%dma_wait3A_62 : memref<128x128xf32, #tpu.memory_space<vmem>>) dst(%dma_wait3A_58 : memref<128x128xf32, #tpu.memory_space<hbm>>)
    %dma_wait3A_63 = arith.constant 2 : i32
    %dma_wait3A_64 = arith.constant 2 : i32
    %dma_wait3A_65 = arith.constant 0 : i32
    %dma_wait3A_66 = arith.constant 0 : i32
    %dma_wait3A_67 = tpu.memref_slice %arg6[%dma_wait3A_63, %dma_wait3A_65, %dma_wait3A_66] : memref<7x128x128xf32, #tpu.memory_space<vmem>> -> memref<1x128x128xf32, #tpu.memory_space<vmem>>
    %dma_wait3A_68 = tpu.memref_squeeze %dma_wait3A_67 : memref<1x128x128xf32, #tpu.memory_space<vmem>> -> memref<128x128xf32, #tpu.memory_space<vmem>>
    %dma_wait3A_69 = arith.constant 0 : i32
    %dma_wait3A_70 = tpu.memref_slice %arg4[%mul3A_2, %dma_wait3A_69] : memref<204800x128xf32, #tpu.memory_space<hbm>> -> memref<128x128xf32, #tpu.memory_space<hbm>>
    %dma_wait3A_71 = tpu.memref_slice %arg8[%dma_wait3A_64] : memref<7x!tpu.dma_semaphore, #tpu.memory_space<semaphore_mem>> -> memref<1x!tpu.dma_semaphore, #tpu.memory_space<semaphore_mem>>
    %dma_wait3A_72 = tpu.memref_squeeze %dma_wait3A_71 : memref<1x!tpu.dma_semaphore, #tpu.memory_space<semaphore_mem>> -> memref<!tpu.dma_semaphore, #tpu.memory_space<semaphore_mem>>
    %dma_wait3A_73 = arith.constant 0 : i32
    %dma_wait3A_74 = tpu.memref_slice %arg4[%mul3A_2, %dma_wait3A_73] : memref<204800x128xf32, #tpu.memory_space<hbm>> -> memref<128x128xf32, #tpu.memory_space<hbm>>
    %dma_wait3A_75 = arith.constant 0 : i32
    %dma_wait3A_76 = arith.constant 0 : i32
    %dma_wait3A_77 = tpu.memref_slice %arg6[%dma_wait3A_63, %dma_wait3A_75, %dma_wait3A_76] : memref<7x128x128xf32, #tpu.memory_space<vmem>> -> memref<1x128x128xf32, #tpu.memory_space<vmem>>
    %dma_wait3A_78 = tpu.memref_squeeze %dma_wait3A_77 : memref<1x128x128xf32, #tpu.memory_space<vmem>> -> memref<128x128xf32, #tpu.memory_space<vmem>>
    tpu.wait_dma2 semaphore(%dma_wait3A_72 : memref<!tpu.dma_semaphore, #tpu.memory_space<semaphore_mem>>) src(%dma_wait3A_78 : memref<128x128xf32, #tpu.memory_space<vmem>>) dst(%dma_wait3A_74 : memref<128x128xf32, #tpu.memory_space<hbm>>)
    %dma_wait3A_79 = arith.constant 3 : i32
    %dma_wait3A_80 = arith.constant 3 : i32
    %dma_wait3A_81 = arith.constant 0 : i32
    %dma_wait3A_82 = arith.constant 0 : i32
    %dma_wait3A_83 = tpu.memref_slice %arg6[%dma_wait3A_79, %dma_wait3A_81, %dma_wait3A_82] : memref<7x128x128xf32, #tpu.memory_space<vmem>> -> memref<1x128x128xf32, #tpu.memory_space<vmem>>
    %dma_wait3A_84 = tpu.memref_squeeze %dma_wait3A_83 : memref<1x128x128xf32, #tpu.memory_space<vmem>> -> memref<128x128xf32, #tpu.memory_space<vmem>>
    %dma_wait3A_85 = arith.constant 0 : i32
    %dma_wait3A_86 = tpu.memref_slice %arg4[%mul3A_2, %dma_wait3A_85] : memref<204800x128xf32, #tpu.memory_space<hbm>> -> memref<128x128xf32, #tpu.memory_space<hbm>>
    %dma_wait3A_87 = tpu.memref_slice %arg8[%dma_wait3A_80] : memref<7x!tpu.dma_semaphore, #tpu.memory_space<semaphore_mem>> -> memref<1x!tpu.dma_semaphore, #tpu.memory_space<semaphore_mem>>
    %dma_wait3A_88 = tpu.memref_squeeze %dma_wait3A_87 : memref<1x!tpu.dma_semaphore, #tpu.memory_space<semaphore_mem>> -> memref<!tpu.dma_semaphore, #tpu.memory_space<semaphore_mem>>
    %dma_wait3A_89 = arith.constant 0 : i32
    %dma_wait3A_90 = tpu.memref_slice %arg4[%mul3A_2, %dma_wait3A_89] : memref<204800x128xf32, #tpu.memory_space<hbm>> -> memref<128x128xf32, #tpu.memory_space<hbm>>
    %dma_wait3A_91 = arith.constant 0 : i32
    %dma_wait3A_92 = arith.constant 0 : i32
    %dma_wait3A_93 = tpu.memref_slice %arg6[%dma_wait3A_79, %dma_wait3A_91, %dma_wait3A_92] : memref<7x128x128xf32, #tpu.memory_space<vmem>> -> memref<1x128x128xf32, #tpu.memory_space<vmem>>
    %dma_wait3A_94 = tpu.memref_squeeze %dma_wait3A_93 : memref<1x128x128xf32, #tpu.memory_space<vmem>> -> memref<128x128xf32, #tpu.memory_space<vmem>>
    tpu.wait_dma2 semaphore(%dma_wait3A_88 : memref<!tpu.dma_semaphore, #tpu.memory_space<semaphore_mem>>) src(%dma_wait3A_94 : memref<128x128xf32, #tpu.memory_space<vmem>>) dst(%dma_wait3A_90 : memref<128x128xf32, #tpu.memory_space<hbm>>)
    %dma_wait3A_95 = arith.constant 4 : i32
    %dma_wait3A_96 = arith.constant 4 : i32
    %dma_wait3A_97 = arith.constant 0 : i32
    %dma_wait3A_98 = arith.constant 0 : i32
    %dma_wait3A_99 = tpu.memref_slice %arg6[%dma_wait3A_95, %dma_wait3A_97, %dma_wait3A_98] : memref<7x128x128xf32, #tpu.memory_space<vmem>> -> memref<1x128x128xf32, #tpu.memory_space<vmem>>
    %dma_wait3A_100 = tpu.memref_squeeze %dma_wait3A_99 : memref<1x128x128xf32, #tpu.memory_space<vmem>> -> memref<128x128xf32, #tpu.memory_space<vmem>>
    %dma_wait3A_101 = arith.constant 0 : i32
    %dma_wait3A_102 = tpu.memref_slice %arg4[%mul3A_2, %dma_wait3A_101] : memref<204800x128xf32, #tpu.memory_space<hbm>> -> memref<128x128xf32, #tpu.memory_space<hbm>>
    %dma_wait3A_103 = tpu.memref_slice %arg8[%dma_wait3A_96] : memref<7x!tpu.dma_semaphore, #tpu.memory_space<semaphore_mem>> -> memref<1x!tpu.dma_semaphore, #tpu.memory_space<semaphore_mem>>
    %dma_wait3A_104 = tpu.memref_squeeze %dma_wait3A_103 : memref<1x!tpu.dma_semaphore, #tpu.memory_space<semaphore_mem>> -> memref<!tpu.dma_semaphore, #tpu.memory_space<semaphore_mem>>
    %dma_wait3A_105 = arith.constant 0 : i32
    %dma_wait3A_106 = tpu.memref_slice %arg4[%mul3A_2, %dma_wait3A_105] : memref<204800x128xf32, #tpu.memory_space<hbm>> -> memref<128x128xf32, #tpu.memory_space<hbm>>
    %dma_wait3A_107 = arith.constant 0 : i32
    %dma_wait3A_108 = arith.constant 0 : i32
    %dma_wait3A_109 = tpu.memref_slice %arg6[%dma_wait3A_95, %dma_wait3A_107, %dma_wait3A_108] : memref<7x128x128xf32, #tpu.memory_space<vmem>> -> memref<1x128x128xf32, #tpu.memory_space<vmem>>
    %dma_wait3A_110 = tpu.memref_squeeze %dma_wait3A_109 : memref<1x128x128xf32, #tpu.memory_space<vmem>> -> memref<128x128xf32, #tpu.memory_space<vmem>>
    tpu.wait_dma2 semaphore(%dma_wait3A_104 : memref<!tpu.dma_semaphore, #tpu.memory_space<semaphore_mem>>) src(%dma_wait3A_110 : memref<128x128xf32, #tpu.memory_space<vmem>>) dst(%dma_wait3A_106 : memref<128x128xf32, #tpu.memory_space<hbm>>)
    %dma_wait3A_111 = arith.constant 5 : i32
    %dma_wait3A_112 = arith.constant 5 : i32
    %dma_wait3A_113 = arith.constant 0 : i32
    %dma_wait3A_114 = arith.constant 0 : i32
    %dma_wait3A_115 = tpu.memref_slice %arg6[%dma_wait3A_111, %dma_wait3A_113, %dma_wait3A_114] : memref<7x128x128xf32, #tpu.memory_space<vmem>> -> memref<1x128x128xf32, #tpu.memory_space<vmem>>
    %dma_wait3A_116 = tpu.memref_squeeze %dma_wait3A_115 : memref<1x128x128xf32, #tpu.memory_space<vmem>> -> memref<128x128xf32, #tpu.memory_space<vmem>>
    %dma_wait3A_117 = arith.constant 0 : i32
    %dma_wait3A_118 = tpu.memref_slice %arg4[%mul3A_2, %dma_wait3A_117] : memref<204800x128xf32, #tpu.memory_space<hbm>> -> memref<128x128xf32, #tpu.memory_space<hbm>>
    %dma_wait3A_119 = tpu.memref_slice %arg8[%dma_wait3A_112] : memref<7x!tpu.dma_semaphore, #tpu.memory_space<semaphore_mem>> -> memref<1x!tpu.dma_semaphore, #tpu.memory_space<semaphore_mem>>
    %dma_wait3A_120 = tpu.memref_squeeze %dma_wait3A_119 : memref<1x!tpu.dma_semaphore, #tpu.memory_space<semaphore_mem>> -> memref<!tpu.dma_semaphore, #tpu.memory_space<semaphore_mem>>
    %dma_wait3A_121 = arith.constant 0 : i32
    %dma_wait3A_122 = tpu.memref_slice %arg4[%mul3A_2, %dma_wait3A_121] : memref<204800x128xf32, #tpu.memory_space<hbm>> -> memref<128x128xf32, #tpu.memory_space<hbm>>
    %dma_wait3A_123 = arith.constant 0 : i32
    %dma_wait3A_124 = arith.constant 0 : i32
    %dma_wait3A_125 = tpu.memref_slice %arg6[%dma_wait3A_111, %dma_wait3A_123, %dma_wait3A_124] : memref<7x128x128xf32, #tpu.memory_space<vmem>> -> memref<1x128x128xf32, #tpu.memory_space<vmem>>
    %dma_wait3A_126 = tpu.memref_squeeze %dma_wait3A_125 : memref<1x128x128xf32, #tpu.memory_space<vmem>> -> memref<128x128xf32, #tpu.memory_space<vmem>>
    tpu.wait_dma2 semaphore(%dma_wait3A_120 : memref<!tpu.dma_semaphore, #tpu.memory_space<semaphore_mem>>) src(%dma_wait3A_126 : memref<128x128xf32, #tpu.memory_space<vmem>>) dst(%dma_wait3A_122 : memref<128x128xf32, #tpu.memory_space<hbm>>)
    %dma_wait3A_127 = arith.constant 6 : i32
    %dma_wait3A_128 = arith.constant 6 : i32
    %dma_wait3A_129 = arith.constant 0 : i32
    %dma_wait3A_130 = arith.constant 0 : i32
    %dma_wait3A_131 = tpu.memref_slice %arg6[%dma_wait3A_127, %dma_wait3A_129, %dma_wait3A_130] : memref<7x128x128xf32, #tpu.memory_space<vmem>> -> memref<1x128x128xf32, #tpu.memory_space<vmem>>
    %dma_wait3A_132 = tpu.memref_squeeze %dma_wait3A_131 : memref<1x128x128xf32, #tpu.memory_space<vmem>> -> memref<128x128xf32, #tpu.memory_space<vmem>>
    %dma_wait3A_133 = arith.constant 0 : i32
    %dma_wait3A_134 = tpu.memref_slice %arg4[%mul3A_2, %dma_wait3A_133] : memref<204800x128xf32, #tpu.memory_space<hbm>> -> memref<128x128xf32, #tpu.memory_space<hbm>>
    %dma_wait3A_135 = tpu.memref_slice %arg8[%dma_wait3A_128] : memref<7x!tpu.dma_semaphore, #tpu.memory_space<semaphore_mem>> -> memref<1x!tpu.dma_semaphore, #tpu.memory_space<semaphore_mem>>
    %dma_wait3A_136 = tpu.memref_squeeze %dma_wait3A_135 : memref<1x!tpu.dma_semaphore, #tpu.memory_space<semaphore_mem>> -> memref<!tpu.dma_semaphore, #tpu.memory_space<semaphore_mem>>
    %dma_wait3A_137 = arith.constant 0 : i32
    %dma_wait3A_138 = tpu.memref_slice %arg4[%mul3A_2, %dma_wait3A_137] : memref<204800x128xf32, #tpu.memory_space<hbm>> -> memref<128x128xf32, #tpu.memory_space<hbm>>
    %dma_wait3A_139 = arith.constant 0 : i32
    %dma_wait3A_140 = arith.constant 0 : i32
    %dma_wait3A_141 = tpu.memref_slice %arg6[%dma_wait3A_127, %dma_wait3A_139, %dma_wait3A_140] : memref<7x128x128xf32, #tpu.memory_space<vmem>> -> memref<1x128x128xf32, #tpu.memory_space<vmem>>
    %dma_wait3A_142 = tpu.memref_squeeze %dma_wait3A_141 : memref<1x128x128xf32, #tpu.memory_space<vmem>> -> memref<128x128xf32, #tpu.memory_space<vmem>>
    tpu.wait_dma2 semaphore(%dma_wait3A_136 : memref<!tpu.dma_semaphore, #tpu.memory_space<semaphore_mem>>) src(%dma_wait3A_142 : memref<128x128xf32, #tpu.memory_space<vmem>>) dst(%dma_wait3A_138 : memref<128x128xf32, #tpu.memory_space<hbm>>)
    return
  }
}

</mosaic_0001>

<sc_bundles>
// kernel: kernel.3.cloned.1.call-start
scs
__scs_entry_jumppad:
0x0: {  	(pc) =	sbr.rel $0x88, $3  }
0x1: {  	(tag) =	ssettag $0x0;
	lr =	simm.s32 $0x1  }
0x2: {  	[smem:$0x3F9F] =	sst lr;
	_ =	strace $0xD0000000  }
0x3: {  	_ = 	snop  }
0x4: {  	_ = 	snop  }
0x5: {  	_ = 	snop  }
0x6: {  	_ = 	snop  }
0x7: {  	_ = 	snop  }
__scs_overlays_trampoline_lowered:
0x8: {  	[smem:$0x3FAE] =	sst s0  }
0x9: {  	[smem:$0x3FAF] =	sst s1  }
0xa: {  	[smem:$0x3FB0] =	sst s2  }
0xb: {  	[smem:$0x3FB1] =	sst s3  }
0xc: {  	[smem:$0x3FB2] =	sst s4  }
0xd: {  	[smem:$0x3FB3] =	sst s5  }
0xe: {  	[smem:$0x3FB4] =	sst s6  }
0xf: {  	[smem:$0x3FB5] =	sst s7  }
0x10: {  	[smem:$0x3FB6] =	sst s8  }
0x11: {  	[smem:$0x3FB7] =	sst s9;
	s0 =	simm.s32 @!p0 $0x0  }
0x12: {  	s1 =	sld [smem:$0x3F9D];
	s0 =	simm.s32 @p0 $0x1  }
0x13: {  	[smem:$0x3FB8] =	sst s0;
	s0 =	simm.s32 @!p1 $0x0  }
0x14: {  	s2 =	sld [smem:$0x3F9C];
	s0 =	simm.s32 @p1 $0x1  }
0x15: {  	[smem:$0x3FB9] =	sst s0;
	s0 =	simm.s32 @!p2 $0x0  }
0x16: {  	s3 =	sld [smem:$0x3FDB];
	s0 =	simm.s32 @p2 $0x1  }
0x17: {  	s4 =	simm.s32 $0x1BF5;
	[smem:$0x3FBB] =	sst s0  }
0x18: {  	s0 =	sld [smem:$0x3F9E];
	_ =	swait.ge [sflag:s4], $0x0  }
0x19: {  	s7 =	sld [smem:$0x3F9F]  }
0x1a: {  	s8 =	sadd.s32 $0xFFFFE003, lr  }
0x1b: {  	s9 =	sadd.s32 $0xFFFFFEF7, lr;
	s5 =	simm.s32 $0xFFFFFFFF;
	p2 =	slt.u32 s8, $0xFFFFF086  }
0x1c: {  	p1 =	slt.u32 s9, $0xF7A;
	s5 =	simm.s32 @!p2 $0x0  }
0x1d: {  	s5 =	simm.s32 @p1 $0x1;
	p0 =	seq.s32 s7, s2  }
0x1e: {  	s7 =	smul.u32 @!p0 $0xF7A, s2;
	p2 =	seq.s32 @!p0 s5, $0x0  }
0x1f: {  	s9 =	smul.u32 $0xF7A, s1;
	s8 =	simm.s32 @!p0 $0x1BF5;
	p2 =	por !p2, p0  }
0x20: {  	[sflag:s8] =	ssyncset.s32 @!p0 $0xFFFFF086;
	s6 =	sadd.s32 @!p0 s3, s7;
	s7 =	simm.s32 @!p0 $0x108  }
0x21: {  	s3 =	sadd.s32 s3, s9;
	s6 =	sadd.s32 @!p0 $0x88, s6;
	s7 =	simm.s32 @p2 $0x1082  }
0x22: {  	[simem:s7], [sflag:s8] =	dma.local @!p0 [hbm:s6], $0xF7A  }
0x23: {  	s9 =	sor.u32 $0xD0000000, s2;
	s6 =	simm.s32 $0x108;
	_ =	swait.ge @!p0 [sflag:s8], $0x0  }
0x24: {  	s3 =	sadd.s32 $0x88, s3;
	s6 =	simm.s32 @!p1 $0x1082;
	[sflag:s4] =	ssyncset.s32 $0xFFFFF086  }
0x25: {  	[simem:s6], [sflag:s4] =	dma.local [hbm:s3], $0xF7A  }
0x26: {  	[smem:$0x3F9F] =	sst s1;
	(tag) =	ssettag s2;
	_ =	strace s9  }
0x27: {  	s1 =	sld [smem:$0x3FAF]  }
0x28: {  	s2 =	sld [smem:$0x3FB0]  }
0x29: {  	s4 =	sld [smem:$0x3FB2]  }
0x2a: {  	p0 =	seq.s32 s5, $0x0;
	s5 =	sld [smem:$0x3FB3]  }
0x2b: {  	s6 =	sld [smem:$0x3FB4]  }
0x2c: {  	s7 =	sld [smem:$0x3FB5]  }
0x2d: {  	s3 =	simm.s32 $0x108;
	s8 =	sld [smem:$0x3FB6]  }
0x2e: {  	s3 =	simm.s32 @!p0 $0x1082;
	s9 =	sld [smem:$0x3FB7]  }
0x2f: {  	lr =	sadd.s32 s0, s3;
	s0 =	sld [smem:$0x3FAE]  }
0x30: {  	s3 =	sld [smem:$0x3FB1]  }
0x31: {  	[smem:$0x3FBA] =	sst s10  }
0x32: {  	s10 =	sld [smem:$0x3FB8];
	_ =	sdelay $0x3  }
0x33: {  	p0 =	seq.s32 s10, $0x1;
	s10 =	sld [smem:$0x3FBA];
	_ =	sdelay $0x3  }
0x34: {  	[smem:$0x3FBA] =	sst s10  }
0x35: {  	s10 =	sld [smem:$0x3FB9];
	_ =	sdelay $0x3  }
0x36: {  	p1 =	seq.s32 s10, $0x1;
	s10 =	sld [smem:$0x3FBA];
	_ =	sdelay $0x3  }
0x37: {  	[smem:$0x3FBA] =	sst s10  }
0x38: {  	s10 =	sld [smem:$0x3FBB]  }
0x39: {  	_ = 	snop;
	(pc) =	sbr.ind lr, $3  }
0x3a: {  	_ = 	snop  }
0x3b: {  	_ = 	snop  }
0x3c: {  	p2 =	seq.s32 s10, $0x1;
	s10 =	sld [smem:$0x3FBA]  }
0x3d: {  	_ =	shalt  }
0x3e: {  	_ =	shalt  }
0x3f: {  	_ =	shalt  }
0x40: {  	_ =	shalt  }
0x41: {  	_ =	shalt  }
0x42: {  	_ =	shalt  }
0x43: {  	_ =	shalt  }
0x44: {  	_ =	shalt  }
0x45: {  	_ =	shalt  }
0x46: {  	_ =	shalt  }
0x47: {  	_ =	shalt  }
0x48: {  	_ =	shalt  }
0x49: {  	_ =	shalt  }
0x4a: {  	_ =	shalt  }
0x4b: {  	_ =	shalt  }
0x4c: {  	_ =	shalt  }
0x4d: {  	_ =	shalt  }
0x4e: {  	_ =	shalt  }
0x4f: {  	_ =	shalt  }
0x50: {  	_ =	shalt  }
0x51: {  	_ =	shalt  }
0x52: {  	_ =	shalt  }
0x53: {  	_ =	shalt  }
0x54: {  	_ =	shalt  }
0x55: {  	_ =	shalt  }
0x56: {  	_ =	shalt  }
0x57: {  	_ =	shalt  }
0x58: {  	_ =	shalt  }
0x59: {  	_ =	shalt  }
0x5a: {  	_ =	shalt  }
0x5b: {  	_ =	shalt  }
0x5c: {  	_ =	shalt  }
0x5d: {  	_ =	shalt  }
0x5e: {  	_ =	shalt  }
0x5f: {  	_ =	shalt  }
0x60: {  	_ =	shalt  }
0x61: {  	_ =	shalt  }
0x62: {  	_ =	shalt  }
0x63: {  	_ =	shalt  }
0x64: {  	_ =	shalt  }
0x65: {  	_ =	shalt  }
0x66: {  	_ =	shalt  }
0x67: {  	_ =	shalt  }
0x68: {  	_ =	shalt  }
0x69: {  	_ =	shalt  }
0x6a: {  	_ =	shalt  }
0x6b: {  	_ =	shalt  }
0x6c: {  	_ =	shalt  }
0x6d: {  	_ =	shalt  }
0x6e: {  	_ =	shalt  }
0x6f: {  	_ =	shalt  }
0x70: {  	_ =	shalt  }
0x71: {  	_ =	shalt  }
0x72: {  	_ =	shalt  }
0x73: {  	_ =	shalt  }
0x74: {  	_ =	shalt  }
0x75: {  	_ =	shalt  }
0x76: {  	_ =	shalt  }
0x77: {  	_ =	shalt  }
0x78: {  	_ =	shalt  }
0x79: {  	_ =	shalt  }
0x7a: {  	_ =	shalt  }
0x7b: {  	_ =	shalt  }
0x7c: {  	_ =	shalt  }
0x7d: {  	_ =	shalt  }
0x7e: {  	_ =	shalt  }
0x7f: {  	_ =	shalt  }
0x80: {  	_ =	shalt  }
0x81: {  	_ =	shalt  }
0x82: {  	_ =	shalt  }
0x83: {  	_ =	shalt  }
0x84: {  	_ =	shalt  }
0x85: {  	_ =	shalt  }
0x86: {  	_ =	shalt  }
0x87: {  	_ =	shalt  }
.Lfunc_end0:
.L_simem_size_0:
called_computation_lowered:
.L_overlay_start_0:
0x88: {  	s2 =	sld [smem:$0x3FD9]  }
0x89: {  	s3 =	sld [smem:$0x3FFE];
	_ =	sdelay $0x1  }
0x8a: {  	s1 =	srdreg.scid  }
0x8b: {  	s0 =	sand.u32 $0x1, s1  }
0x8c: {  	s17 =	sshll.u32 s0, $0xA;
	s2 =	sadd.s32 s3, s2  }
0x8d: {  	s2 =	sadd.s32 s2, s17  }
0x8e: {  	[smem:$0x3FC6] =	sst s2  }
0x8f: {  	_ = 	snop  }
0x90: {  	s2 =	sld [smem:$0x3FC9]  }
0x91: {  	s18 =	sld [smem:$0x3FD0];
	(tm) =	ssettm $0x1  }
0x92: {  	s4 =	sld [smem:$0x3FFB];
	_ =	sdelay $0x3  }
0x93: {  	_ =	strace s4  }
0x94: {  	s4 =	sld [smem:$0x3FFC];
	_ =	sdelay $0x3  }
0x95: {  	_ =	strace s4  }
0x96: {  	s4 =	sld [smem:$0x3FFD];
	_ =	sdelay $0x3  }
0x97: {  	_ =	strace s4  }
0x98: {  	_ =	strace $0x8FFFFFFF  }
0x99: {  	s19 =	sld [smem:$0x3FDB];
	_ =	sdelay $0x1  }
0x9a: {  	s5 =	simm.s32 $_scs_section_size  }
0x9b: {  	s6 =	simm.s32 $_size__tile_overlayer_lowered;
	s7 =	simm.s32 $_tile_overlayer_lowered  }
0x9c: {  	s22 =	simm.s32 $0x1BFF;
	s21 =	sshll.u32 s7, $0x1;
	s4 =	sadd.s32 s5, s19  }
0x9d: {  	s8 =	simm.s32 $0x0;
	s20 =	sshll.u32 s6, $0x1;
	s6 =	sadd.s32 s21, s4  }
0x9e: {  	[timem:s8], [sflag:s22] =	dma.local [hbm:s6], s20  }
0x9f: {  	_ =	swait.ge [sflag:s22], s20  }
0xa0: {  	s5 =	ssub.s32 $0x0, s20;
	[sflag:s22] =	ssyncset.done $0x0  }
0xa1: {  	[sflag:s22] =	ssyncadd.s32 s5;
	_ =	sdelay $0x1  }
0xa2: {  	s23 =	simm.s32 $0x1B8B  }
0xa3: {  	_ =	swait.ge [sflag:s23], $0x1  }
0xa4: {  	[sflag:s23] =	ssyncset.done $0x0  }
0xa5: {  	s25 =	simm.s32 $0x1B8E;
	s24 =	sld [smem:$0x3FFE];
	[sflag:s23] =	ssyncadd.s32 $0xFFFFFFFF  }
0xa6: {  	s26 =	simm.s32 $execute0_lowered;
	[smem:$0x3FD2] =	sst s25  }
0xa7: {  	s6 =	sshll.u32 s26, $0x1;
	_ =	strace $0x80000046;
	[dreg:$0x1] =	wrdreg $0xFFFFFFFF  }
0xa8: {  	s28 =	simm.s32 $_size_execute0_lowered;
	s4 =	sadd.s32 s4, s6;
	[dreg:$0x0] =	wrdreg $0x0  }
0xa9: {  	s6 =	sshll.u32 s28, $0x1;
	[dreg:$0x2] =	wrdreg s4  }
0xaa: {  	[dreg:$0x3] =	wrdreg s6  }
0xab: {  	[dreg:$0x4] =	wrdreg $0xC0  }
0xac: {  	_ =	task [dreg:s8], $0x5FFFF  }
0xad: {  	[dreg:$0x1] =	wrdreg $0xFFFFFFFF  }
0xae: {  	[dreg:$0x0] =	wrdreg $0x60  }
0xaf: {  	[dreg:$0x2] =	wrdreg s2  }
0xb0: {  	[dreg:$0x3] =	wrdreg s24  }
0xb1: {  	[dreg:$0x4] =	wrdreg s18  }
0xb2: {  	[dreg:$0x5] =	wrdreg $0x9  }
0xb3: {  	_ =	task.clear_ibuf [dreg:s8], $0x6FFFF;
	_ =	strace $0x90000046  }
0xb4: {  	s29 =	simm.s32 $0x9;
	_ =	strace $0x80000048  }
0xb5: {  	_ =	swait.ge [sflag:s29], $0x1  }
0xb6: {  	[sflag:s29] =	ssyncadd.s32 $0xFFFFFFFF  }
0xb7: {  	_ =	strace $0x90000048  }
0xb8: {  	_ =	sfence  }
0xb9: {  	s30 =	sld [smem:$0x0];
	_ =	sdelay $0x2  }
0xba: {  	s31 =	sshll.u32 s1, $0xD;
	s1 =	sshrl.u32 s1, $0x2  }
0xbb: {  	s3 =	sand.u32 $0x4000, s31;
	s1 =	sadd.s32 s1, s30  }
0xbc: {  	s0 =	sor.u32 s3, s0;
	s1 =	sshll.u32 s1, $0x11  }
0xbd: {  	s0 =	sor.u32 s1, s0  }
0xbe: {  	s0 =	sadd.s32 $0x8F2B, s0  }
0xbf: {  	[sflag:s0] =	ssyncadd.remote.s32 $0x1  }
0xc0: {  	_ =	sfence.sel $0xFFFF  }
0xc1: {  	[dreg:$0x0] =	wrdreg $0xFFFFFFFF;
	(pc) =	sbr.abs _section_cstart, $3  }
0xc2: {  	[dreg:$0x1] =	wrdreg $0xFFFFFFFF  }
0xc3: {  	_ =	task.clear_ibuf [dreg:s8], $0x2FFFF;
	_ =	strace $0x9FFFFFFF  }
0xc4: {  	(tm) =	ssettm $0x7FFFFFFF  }
0xc5: {  	_ =	shalt  }
tec
execute0_lowered:
.L_overlay_start_1:
0x0: {  	(tag) =	ssettag $0x1  }
0x1: {  	s1 =	rddreg [dreg:$0x0]  }
0x2: {  	s4 =	rddreg [dreg:$0x1]  }
0x3: {  	s6 =	rddreg [dreg:$0x2]  }
0x4: {  	s3 =	srdreg.scid;
	s0 =	stileid.u32  }
0x5: {  	s11 =	simm.s32 $0x8;
	s12 =	simm.s32 $0x9;
	s13 =	simm.s32 $0xA  }
0x6: {  	s14 =	simm.s32 $0xB;
	s15 =	simm.s32 $0xC;
	s16 =	simm.s32 $0xD  }
0x7: {  	s17 =	simm.s32 $0xE;
	s18 =	simm.s32 $0x0;
	s5 =	sand.u32 $0x1, s3  }
0x8: {  	s7 =	sshll.u32 s0, $0x1;
	s8 =	smul.u32 $0x190000, s0;
	s3 =	simm.s32 $0x0  }
0x9: {  	s7 =	sor.u32 s5, s7;
	s9 =	smul.u32 $0xC8000, s5;
	s5 =	ssub.s32 $0x2, s5  }
0xa: {  	[smem:$0x7FF] =	sst s3;
	s7 =	smul.u32 $0x320, s7;
	s10 =	sshrl.u32 s5, $0x1  }
0xb: {  	_ =	strace $0x80000047;
	s8 =	sadd.s32 s9, s8;
	s5 =	ssub.s32 s5, s10  }
0xc: {  	s9 =	simm.s32 $0x1900;
	s10 =	simm.s32 $0x5900;
	s4 =	sadd.s32 s7, s4  }
0xd: {  	s31 =	sshrl.u32 s8, $0x3;
	s5 =	smax.u32 s5, $0x1;
	s7 =	simm.s32 $0xF  }
0xe: {  	s8 =	simm.s32 $0x80;
	s4 =	sadd.s32 $0x400, s4;
	s6 =	sadd.s32 s31, s6  }
.LBB2_1:
0xf: {  	[tilespmem:s3], [sflag:$0xF] =	stream.linear.gather [hbm4b:s4+s3], $0x1900, $0x38;
	[tilespmem:$0x1D900] =	vst v63  }
0x10: {  	s19 =	simm.s32 $0x2;
	p1 =	por $0x0, $0x0  }
0x11: {  	_ =	swait.ge [sflag:s7], $0x1900;
	s19 =	smul.u32 @!p1 $0x25, s19  }
0x12: {  	s20 =	smul.u32 $0x25, s3;
	[sflag:s7] =	ssyncset.done $0x0  }
0x13: {  	p0 =	por p1, p1;
	[sflag:s7] =	ssyncadd.s32 $0xFFFFE700;
	s19 =	sshrl.u32 @!p1 s19, $0x8  }
0x14: {  	[tilespmem:s9], [sflag:$0x1] =	stream.indirect.gather [hbm4b:s1+s8], $0x80, s3, s8, $0xb8;
	[tilespmem:$0x1D900] =	vst v63  }
0x15: {  	s21 =	ssub.s32 @!p0 $0x2, s19  }
0x16: {  	s20 =	sshrl.u32 s20, $0x8;
	s21 =	sand.u32 @!p0 $0xFE, s21  }
0x17: {  	[tilespmem:s10], [sflag:$0x2] =	stream.indirect.gather [hbm4b:s1+s8], $0x80, s8, s8, $0xb8;
	[tilespmem:$0x1D900] =	vst v63  }
0x18: {  	s22 =	ssub.s32 $0x0, s20;
	s21 =	sshrl.u32 @!p0 s21, $0x1  }
0x19: {  	s22 =	sand.u32 $0xFE, s22;
	s19 =	sadd.s32 @!p0 s19, s21  }
0x1a: {  	s24 =	simm.s32 $0x100;
	s22 =	sshrl.u32 s22, $0x1;
	s19 =	sand.u32 @!p0 $0xFC, s19  }
0x1b: {  	p2 =	por $0x0, $0x0;
	s20 =	sadd.s32 s20, s22;
	s19 =	sshrl.u32 @!p0 s19, $0x2  }
0x1c: {  	p1 =	por @!p1 $0x1, $0x1;
	s23 =	sand.u32 $0xFC, s20;
	s19 =	smul.u32 @!p0 $0x7, s19  }
0x1d: {  	s29 =	simm.s32 @!p0 $0x80;
	p1 =	por p1, p0;
	s23 =	sshrl.u32 s23, $0x2  }
0x1e: {  	s22 =	simm.s32 $0x2;
	s23 =	smul.u32 $0x7, s23;
	s25 =	ssub.s32 @!p0 $0x2, s19  }
0x1f: {  	s21 =	simm.s32 $0x1;
	s20 =	simm.s32 $0x180;
	s25 =	sand.u32 @!p0 $0xFF, s25  }
0x20: {  	s23 =	ssub.s32 $0x0, s23;
	s19 =	sadd.s32 $0x800, s6;
	s26 =	sadd.s32 @!p1 $0x8, s25  }
0x21: {  	s30 =	sand.u32 $0xFF, s23;
	s23 =	simm.s32 $0x3;
	_ =	swait.ge @!p1 [sflag:s26], $0x4000  }
0x22: {  	s31 =	sshll.u32 s30, $0xE;
	s28 =	sshll.u32 @!p0 s25, $0xE;
	[sflag:s26] =	ssyncset.done @!p1 $0x0  }
0x23: {  	s25 =	sadd.s32 @!p0 $0x1, s25;
	s28 =	sor.u32 @!p0 $0x1900, s28;
	[sflag:s26] =	ssyncadd.s32 @!p1 $0xFFFFC000  }
0x24: {  	[tilespmem:s28], [sflag:s25] =	stream.indirect.gather @!p0 [hbm4b:s1+s29], $0x80, s24, s29, $0xb8;
	[tilespmem:$0x1D900] =	vst v63  }
0x25: {  	s26 =	sadd.s32 $0x8, s30;
	s29 =	smul.u32 @!p2 $0x25, s23;
	s25 =	sadd.s32 $0x1, s30  }
0x26: {  	s28 =	sor.u32 $0x1900, s31;
	s24 =	smov.u32 s6;
	_ =	swait.ge [sflag:s25], $0x4000  }
.LBB2_2:
0x27: {  	s29 =	sshrl.u32 @!p2 s29, $0x8  }
0x28: {  	p3 =	slt.u32 @!p2 s21, $0x5;
	[sflag:s25] =	ssyncset.done $0x0;
	s30 =	smov.u32 s21  }
0x29: {  	s21 =	smov.u32 s22;
	s31 =	smov.u32 s20;
	p0 =	por p2, p2  }
0x2a: {  	s0 =	smul.u32 $0x25, s30;
	s2 =	ssub.s32 @!p0 s23, s29;
	[sflag:s25] =	ssyncadd.s32 $0xFFFFC000  }
0x2b: {  	[hbm4b:s24+s3] =	stream.linear.scatter [tilespmem:s28], [sflag:s26], $0x4000, $0x38;
	[tilespmem:$0x1D900] =	vst v63  }
0x2c: {  	s22 =	sadd.s32 $0x1, s22;
	s2 =	sand.u32 @!p0 $0xFE, s2;
	s24 =	smov.u32 s19  }
0x2d: {  	p1 =	sne.s32 s22, $0x32;
	s0 =	sshrl.u32 s0, $0x8;
	s2 =	sshrl.u32 @!p0 s2, $0x1  }
0x2e: {  	s25 =	ssub.s32 s30, s0;
	s2 =	sadd.s32 @!p0 s29, s2  }
0x2f: {  	s25 =	sand.u32 $0xFE, s25;
	s2 =	sand.u32 @!p0 $0xFC, s2  }
0x30: {  	s25 =	sshrl.u32 s25, $0x1;
	s2 =	sshrl.u32 @!p0 s2, $0x2  }
0x31: {  	s0 =	sadd.s32 s0, s25;
	s2 =	smul.u32 @!p0 $0x7, s2  }
0x32: {  	s20 =	sadd.s32 $0x80, s20;
	p3 =	por p3, p0;
	s0 =	sand.u32 $0xFC, s0  }
0x33: {  	s19 =	sadd.s32 $0x800, s19;
	s0 =	sshrl.u32 s0, $0x2;
	s2 =	ssub.s32 @!p0 s23, s2  }
0x34: {  	s26 =	simm.s32 @!p0 $0x80;
	s0 =	smul.u32 $0x7, s0;
	s2 =	sand.u32 @!p0 $0xFF, s2  }
0x35: {  	s25 =	sadd.s32 @!p3 $0x8, s2;
	s23 =	sshll.u32 @!p0 s2, $0xE;
	s2 =	sadd.s32 @!p0 $0x1, s2  }
0x36: {  	s0 =	ssub.s32 s30, s0;
	s28 =	sor.u32 @!p0 $0x1900, s23;
	_ =	swait.ge @!p3 [sflag:s25], $0x4000  }
.Ltmp0:
0x37: {  	s0 =	sand.u32 $0xFF, s0;
	[sflag:s25] =	ssyncset.done @!p3 $0x0;
	(pc) =	sbr.rel @p1 .LBB2_2-.Ltmp0, $4  }
0x38: {  	p2 =	sgt.u32 s21, $0x2F;
	s23 =	sadd.s32 $0x2, s21;
	[sflag:s25] =	ssyncadd.s32 @!p3 $0xFFFFC000  }
0x39: {  	s29 =	smul.u32 @!p2 $0x25, s23;
	s30 =	sshll.u32 s0, $0xE;
	s25 =	sadd.s32 $0x1, s0  }
0x3a: {  	[tilespmem:s28], [sflag:s2] =	stream.indirect.gather @!p0 [hbm4b:s1+s26], $0x80, s31, s26, $0xb8;
	[tilespmem:$0x1D900] =	vst v63  }
0x3b: {  	s26 =	sadd.s32 $0x8, s0;
	s28 =	sor.u32 $0x1900, s30;
	_ =	swait.ge [sflag:s25], $0x4000  }
0x3c: {  	s0 =	sshrl.u32 @!p2 s29, $0x8;
	[sflag:s25] =	ssyncset.done $0x0;
	p0 =	por p2, p2  }
0x3d: {  	s2 =	smul.u32 $0x25, s21;
	s22 =	ssub.s32 @!p0 s23, s0;
	[sflag:s25] =	ssyncadd.s32 $0xFFFFC000  }
0x3e: {  	[hbm4b:s24+s3] =	stream.linear.scatter [tilespmem:s28], [sflag:s26], $0x4000, $0x38;
	[tilespmem:$0x1D900] =	vst v63  }
0x3f: {  	s22 =	sand.u32 @!p0 $0xFE, s22  }
0x40: {  	s2 =	sshrl.u32 s2, $0x8;
	s22 =	sshrl.u32 @!p0 s22, $0x1  }
0x41: {  	s28 =	ssub.s32 s21, s2;
	s0 =	sadd.s32 @!p0 s0, s22  }
0x42: {  	s29 =	sand.u32 $0xFE, s28;
	s0 =	sand.u32 @!p0 $0xFC, s0  }
0x43: {  	s22 =	sshrl.u32 s29, $0x1;
	s0 =	sshrl.u32 @!p0 s0, $0x2  }
0x44: {  	s2 =	sadd.s32 s2, s22;
	s0 =	smul.u32 @!p0 $0x7, s0  }
0x45: {  	s2 =	sand.u32 $0xFC, s2  }
0x46: {  	p1 =	slt.u32 @!p2 s21, $0x5;
	s2 =	sshrl.u32 s2, $0x2;
	s0 =	ssub.s32 @!p0 s23, s0  }
0x47: {  	p1 =	por p1, p0;
	s2 =	smul.u32 $0x7, s2;
	s0 =	sand.u32 @!p0 $0xFF, s0  }
0x48: {  	s24 =	simm.s32 @!p0 $0x80;
	s22 =	sadd.s32 @!p1 $0x8, s0  }
0x49: {  	s23 =	sshll.u32 @!p0 s0, $0xE;
	s2 =	ssub.s32 s21, s2;
	_ =	swait.ge @!p1 [sflag:s22], $0x4000  }
0x4a: {  	s0 =	sadd.s32 @!p0 $0x1, s0;
	s2 =	sand.u32 $0xFF, s2;
	[sflag:s22] =	ssyncset.done @!p1 $0x0  }
0x4b: {  	s21 =	sor.u32 @!p0 $0x1900, s23;
	s30 =	sadd.s32 $0x1, s2;
	[sflag:s22] =	ssyncadd.s32 @!p1 $0xFFFFC000  }
0x4c: {  	[tilespmem:s21], [sflag:s0] =	stream.indirect.gather @!p0 [hbm4b:s1+s24], $0x80, s20, s24, $0xb8;
	[tilespmem:$0x1D900] =	vst v63  }
0x4d: {  	_ =	swait.ge [sflag:s30], $0x4000  }
0x4e: {  	s31 =	sshll.u32 s2, $0xE;
	[sflag:s30] =	ssyncset.done $0x0  }
0x4f: {  	s2 =	sadd.s32 $0x8, s2;
	s0 =	sor.u32 $0x1900, s31;
	[sflag:s30] =	ssyncadd.s32 $0xFFFFC000  }
0x50: {  	[hbm4b:s19+s3] =	stream.linear.scatter [tilespmem:s0], [sflag:s2], $0x4000, $0x38;
	[tilespmem:$0x1D900] =	vst v63  }
0x51: {  	_ =	swait.ge [sflag:s11], $0x4000  }
0x52: {  	[sflag:s11] =	ssyncset.done $0x0  }
0x53: {  	[sflag:s11] =	ssyncadd.s32 $0xFFFFC000  }
0x54: {  	_ =	swait.ge [sflag:s12], $0x4000  }
0x55: {  	[sflag:s12] =	ssyncset.done $0x0  }
0x56: {  	[sflag:s12] =	ssyncadd.s32 $0xFFFFC000  }
0x57: {  	_ =	swait.ge [sflag:s13], $0x4000  }
0x58: {  	[sflag:s13] =	ssyncset.done $0x0  }
0x59: {  	[sflag:s13] =	ssyncadd.s32 $0xFFFFC000  }
0x5a: {  	_ =	swait.ge [sflag:s14], $0x4000  }
0x5b: {  	[sflag:s14] =	ssyncset.done $0x0  }
0x5c: {  	[sflag:s14] =	ssyncadd.s32 $0xFFFFC000  }
0x5d: {  	_ =	swait.ge [sflag:s15], $0x4000  }
0x5e: {  	[sflag:s15] =	ssyncset.done $0x0  }
0x5f: {  	s18 =	sadd.s32 $0x1, s18;
	[sflag:s15] =	ssyncadd.s32 $0xFFFFC000  }
0x60: {  	p0 =	sne.s32 s18, s5;
	_ =	swait.ge [sflag:s16], $0x4000  }
.Ltmp1:
0x61: {  	[sflag:s16] =	ssyncset.done $0x0;
	(pc) =	sbr.rel @p0 .LBB2_1-.Ltmp1, $4  }
0x62: {  	[sflag:s16] =	ssyncadd.s32 $0xFFFFC000  }
0x63: {  	_ =	swait.ge [sflag:s17], $0x4000  }
0x64: {  	[sflag:s17] =	ssyncset.done $0x0  }
0x65: {  	[sflag:s17] =	ssyncadd.s32 $0xFFFFC000  }
0x66: {  	_ =	sfence.sel $0x180000  }
0x67: {  	[bflag:$0x0] =	sbarrier.arrive $0xFFFF  }
0x68: {  	_ =	strace $0x90000047  }
0x69: {  	s0 =	stileid.u32;
	[bflag:$0x2] =	sbarrier.arrive $0xFFFF  }
0x6a: {  	p0 =	sne.s32 s0, $0x0;
	s0 =	rddreg [dreg:$0x3]  }
0x6b: {  	s0 =	sadd.s32 @!p0 $0x100000, s0  }
0x6c: {  	[sflag:s0] =	ssyncadd.tile.s32 @!p0 $0x1;
	_ =	shalt  }
.Lfunc_end2:
_tile_overlayer_lowered:
.L_overlay_start_2:
0x6d: {  	(tag) =	ssettag $0x2  }
0x6e: {  	s0 =	rddreg [dreg:$0x0];
	s2 =	stileid.u32  }
0x6f: {  	s1 =	rddreg [dreg:$0x1];
	p0 =	sne.s32 s2, $0x0  }
0x70: {  	s3 =	rddreg [dreg:$0x2];
	[bflag:$0x3] =	sbarrier.arrive $0xFFFF;
	s2 =	simm.s32 @!p0 $0x1C0F  }
0x71: {  	[timem:s3], [sflag:s2] =	dma.local @!p0 [hbm:s0], s1  }
0x72: {  	s0 =	simm.s32 @!p0 $0xF  }
0x73: {  	_ =	swait.ge @!p0 [sflag:s0], s1  }
0x74: {  	s1 =	ssub.s32 @!p0 $0x0, s1;
	[sflag:s0] =	ssyncset.done @!p0 $0x0  }
0x75: {  	[sflag:s0] =	ssyncadd.s32 @!p0 s1  }
0x76: {  	[bflag:$0x3] =	sbarrier.arrive $0xFFFF  }
0x77: {  	_ =	shalt  }

</sc_bundles>
